<compile_context>
chip_gen: v7x
topology: tpu7x:2x2x1
jax: 0.10.2.dev20260603
libtpu: 0.0.44.dev20260713+nightly
codegen_flags: <defaults>
</compile_context>

<pallas_src>
import jax, jax.numpy as jnp
from jax import lax
from jax.experimental import pallas as pl
from jax.experimental.pallas import tpu as pltpu
from jax.experimental.pallas import tpu_sc as plsc

N = 524288
D = 128
W = 32
ROWS_PER_W = N // W
CH = 128
CHW = CH * D
CHUNKS = ROWS_PER_W // CH
NBUF = 4
PD = 2

def _sc_body(x_hbm, cls_hbm, o_hbm, b0, b1, b2, b3, si0, si1, si2, si3, so):
    bufs = (b0, b1, b2, b3)
    sins = (si0, si1, si2, si3)
    cid = lax.axis_index("c")
    sid = lax.axis_index("s")
    wid = sid * 2 + cid
    base = wid * (ROWS_PER_W * D)

    def in_slice(g):
        return x_hbm.at[pl.ds(base + g * CHW, CHW)]

    for p in range(PD):
        pltpu.async_copy(in_slice(p), bufs[p], sins[p])

    @pl.loop(0, CHUNKS, step=NBUF)
    def _(g0):
        for p in range(NBUF):
            g = g0 + p
            @pl.when(g + PD < CHUNKS)
            def _():
                q = (p + PD) % NBUF
                pltpu.async_copy(in_slice(g + PD), bufs[q], sins[q])
            pltpu.make_async_copy(in_slice(g), bufs[p], sins[p]).wait()

    pltpu.async_copy(bufs[0], o_hbm.at[pl.ds(wid * CHW, CHW)], so).wait()

def kernel(x, classes):
    x1d = x.reshape(N * D)
    mesh = plsc.VectorSubcoreMesh(core_axis_name="c", subcore_axis_name="s")
    sc = pl.kernel(
        _sc_body,
        out_type=jax.ShapeDtypeStruct((W * CHW,), jnp.float32),
        mesh=mesh,
        compiler_params=pltpu.CompilerParams(needs_layout_passes=False),
        scratch_types=(
            [pltpu.VMEM((CHW,), jnp.float32)] * 4
            + [pltpu.SemaphoreType.DMA] * 5
        ),
    )
    out = sc(x1d, classes)
    return jnp.zeros((N, D), jnp.float32) + out[0]

# --- scband reference (transcript-rebuilt; emitter-appended) ---
"""Pipeline reference for scband-my-model-61933428411551 (READ-ONLY COPY).

The authoritative reference and input builder live on the scoring server;
editing this copy changes nothing except your own understanding.
"""

import jax, jax.numpy as jnp
import numpy as np

N = 524288
D = 128
C = 64


def setup_inputs(seed: int = 0) -> dict:
    key = jax.random.key(seed)
    k_x, _ = jax.random.split(key)
    # x filled with integer values in [0, C) cast to float32 so that column 5
    # values are guaranteed members of `classes` (deterministic output shape).
    x = jax.random.randint(k_x, (N, D), 0, C).astype(jnp.float32)
    classes = jnp.arange(C, dtype=jnp.float32)
    return {"x": x, "classes": classes}


def reference(x, classes):
    # Faithful translation of MyModel.forward with classes provided:
    #   x_col = x[:, 5].unsqueeze(1)
    #   comparison = x_col == classes.unsqueeze(0)
    #   mask = comparison.any(dim=1)
    #   x = x[mask]
    x_col = x[:, 5][:, None]                     # [N, 1]
    comparison = x_col == classes[None, :]       # [N, C]
    mask = jnp.any(comparison, axis=1)           # [N]
    return jnp.where(mask[:, None], x, 0.0)

if __name__ == "__main__":
    import jax
    _d = setup_inputs()
    print(jax.jit(kernel)(*tuple(_d.values())))

</pallas_src>

<mosaic_0001>
#map = affine_map<(d0, d1) -> (0)>
module attributes {stable_mosaic.version = 14 : i64} {
  func.func @_sc_body(%arg0: i32, %arg1: i32, %arg2: memref<67108864xf32, #tpu.memory_space<hbm>>, %arg3: memref<64xf32, #tpu.memory_space<hbm>>, %arg4: memref<524288xf32, #tpu.memory_space<hbm>>, %arg5: memref<16384xf32, #tpu.memory_space<vmem>>, %arg6: memref<16384xf32, #tpu.memory_space<vmem>>, %arg7: memref<16384xf32, #tpu.memory_space<vmem>>, %arg8: memref<16384xf32, #tpu.memory_space<vmem>>, %arg9: memref<!tpu.dma_semaphore, #tpu.memory_space<semaphore_mem>>, %arg10: memref<!tpu.dma_semaphore, #tpu.memory_space<semaphore_mem>>, %arg11: memref<!tpu.dma_semaphore, #tpu.memory_space<semaphore_mem>>, %arg12: memref<!tpu.dma_semaphore, #tpu.memory_space<semaphore_mem>>, %arg13: memref<!tpu.dma_semaphore, #tpu.memory_space<semaphore_mem>>) attributes {dimension_semantics = [#tpu.dimension_semantics<core_parallel>, #tpu.dimension_semantics<subcore_parallel>], iteration_bounds = array<i64: 2, 16>, scalar_prefetch = 0 : i64, scratch_operands = 9 : i64, tpu.core_type = #tpu.core_type<sc_vector_subcore>, window_params = [{transform_indices = #map}, {transform_indices = #map}, {transform_indices = #map}]} {
    %mul3A = arith.constant 2 : i32
    %mul3A_0 = arith.muli %arg1, %mul3A : i32
    %add3A = arith.addi %mul3A_0, %arg0 : i32
    %mul3A_1 = arith.constant 2097152 : i32
    %mul3A_2 = arith.muli %add3A, %mul3A_1 : i32
    %add3A_3 = arith.constant 0 : i32
    %add3A_4 = arith.addi %mul3A_2, %add3A_3 : i32
    %dma_start3A = tpu.memref_slice %arg2[%add3A_4] : memref<67108864xf32, #tpu.memory_space<hbm>> -> memref<16384xf32, #tpu.memory_space<hbm>>
    %dma_start3A_5 = tpu.memref_slice %arg2[%add3A_4] : memref<67108864xf32, #tpu.memory_space<hbm>> -> memref<16384xf32, #tpu.memory_space<hbm>>
    tpu.enqueue_dma source(%dma_start3A_5 : memref<16384xf32, #tpu.memory_space<hbm>>) target(%arg5 : memref<16384xf32, #tpu.memory_space<vmem>>) target_semaphore(%arg9 : memref<!tpu.dma_semaphore, #tpu.memory_space<semaphore_mem>>)
    %add3A_6 = arith.constant 16384 : i32
    %add3A_7 = arith.addi %mul3A_2, %add3A_6 : i32
    %dma_start3A_8 = tpu.memref_slice %arg2[%add3A_7] : memref<67108864xf32, #tpu.memory_space<hbm>> -> memref<16384xf32, #tpu.memory_space<hbm>>
    %dma_start3A_9 = tpu.memref_slice %arg2[%add3A_7] : memref<67108864xf32, #tpu.memory_space<hbm>> -> memref<16384xf32, #tpu.memory_space<hbm>>
    tpu.enqueue_dma source(%dma_start3A_9 : memref<16384xf32, #tpu.memory_space<hbm>>) target(%arg6 : memref<16384xf32, #tpu.memory_space<vmem>>) target_semaphore(%arg10 : memref<!tpu.dma_semaphore, #tpu.memory_space<semaphore_mem>>)
    %scan3A = arith.constant 0 : i32
    %scan3A_10 = arith.constant 32 : i32
    %scan3A_11 = arith.addi %scan3A, %scan3A_10 : i32
    %scan3A_12 = arith.constant 1 : i32
    scf.for %scan3A_19 = %scan3A to %scan3A_11 step %scan3A_12  : i32 {
      %mul3A_20 = arith.constant 4 : i32
      %mul3A_21 = arith.muli %scan3A_19, %mul3A_20 : i32
      %add3A_22 = arith.constant 0 : i32
      %add3A_23 = arith.addi %add3A_22, %mul3A_21 : i32
      %add3A_24 = arith.constant 0 : i32
      %add3A_25 = arith.addi %add3A_23, %add3A_24 : i32
      %add3A_26 = arith.constant 2 : i32
      %add3A_27 = arith.addi %add3A_25, %add3A_26 : i32
      %lt3A = arith.constant 128 : i32
      %lt3A_28 = arith.cmpi slt, %add3A_27, %lt3A : i32
      %convert_element_type3A = arith.extui %lt3A_28 : i1 to i32
      %cond3A = arith.constant 0 : i32
      %cond3A_29 = arith.cmpi ne, %convert_element_type3A, %cond3A : i32
      scf.if %cond3A_29 {
        %add3A_77 = arith.constant 2 : i32
        %add3A_78 = arith.addi %add3A_25, %add3A_77 : i32
        %mul3A_79 = arith.constant 16384 : i32
        %mul3A_80 = arith.muli %add3A_78, %mul3A_79 : i32
        %add3A_81 = arith.addi %mul3A_2, %mul3A_80 : i32
        %dma_start3A_82 = tpu.memref_slice %arg2[%add3A_81] : memref<67108864xf32, #tpu.memory_space<hbm>> -> memref<16384xf32, #tpu.memory_space<hbm>>
        %dma_start3A_83 = tpu.memref_slice %arg2[%add3A_81] : memref<67108864xf32, #tpu.memory_space<hbm>> -> memref<16384xf32, #tpu.memory_space<hbm>>
        tpu.enqueue_dma source(%dma_start3A_83 : memref<16384xf32, #tpu.memory_space<hbm>>) target(%arg7 : memref<16384xf32, #tpu.memory_space<vmem>>) target_semaphore(%arg11 : memref<!tpu.dma_semaphore, #tpu.memory_space<semaphore_mem>>)
      } else {
      }
      %mul3A_30 = arith.constant 16384 : i32
      %mul3A_31 = arith.muli %add3A_25, %mul3A_30 : i32
      %add3A_32 = arith.addi %mul3A_2, %mul3A_31 : i32
      %dma_wait3A_33 = tpu.memref_slice %arg2[%add3A_32] : memref<67108864xf32, #tpu.memory_space<hbm>> -> memref<16384xf32, #tpu.memory_space<hbm>>
      %dma_wait3A_34 = tpu.memref_slice %arg2[%add3A_32] : memref<67108864xf32, #tpu.memory_space<hbm>> -> memref<16384xf32, #tpu.memory_space<hbm>>
      tpu.wait_dma2 semaphore(%arg9 : memref<!tpu.dma_semaphore, #tpu.memory_space<semaphore_mem>>) src(%dma_wait3A_34 : memref<16384xf32, #tpu.memory_space<hbm>>) dst(%arg5 : memref<16384xf32, #tpu.memory_space<vmem>>)
      %add3A_35 = arith.constant 1 : i32
      %add3A_36 = arith.addi %add3A_23, %add3A_35 : i32
      %add3A_37 = arith.constant 2 : i32
      %add3A_38 = arith.addi %add3A_36, %add3A_37 : i32
      %lt3A_39 = arith.constant 128 : i32
      %lt3A_40 = arith.cmpi slt, %add3A_38, %lt3A_39 : i32
      %convert_element_type3A_41 = arith.extui %lt3A_40 : i1 to i32
      %cond3A_42 = arith.constant 0 : i32
      %cond3A_43 = arith.cmpi ne, %convert_element_type3A_41, %cond3A_42 : i32
      scf.if %cond3A_43 {
        %add3A_77 = arith.constant 2 : i32
        %add3A_78 = arith.addi %add3A_36, %add3A_77 : i32
        %mul3A_79 = arith.constant 16384 : i32
        %mul3A_80 = arith.muli %add3A_78, %mul3A_79 : i32
        %add3A_81 = arith.addi %mul3A_2, %mul3A_80 : i32
        %dma_start3A_82 = tpu.memref_slice %arg2[%add3A_81] : memref<67108864xf32, #tpu.memory_space<hbm>> -> memref<16384xf32, #tpu.memory_space<hbm>>
        %dma_start3A_83 = tpu.memref_slice %arg2[%add3A_81] : memref<67108864xf32, #tpu.memory_space<hbm>> -> memref<16384xf32, #tpu.memory_space<hbm>>
        tpu.enqueue_dma source(%dma_start3A_83 : memref<16384xf32, #tpu.memory_space<hbm>>) target(%arg8 : memref<16384xf32, #tpu.memory_space<vmem>>) target_semaphore(%arg12 : memref<!tpu.dma_semaphore, #tpu.memory_space<semaphore_mem>>)
      } else {
      }
      %mul3A_44 = arith.constant 16384 : i32
      %mul3A_45 = arith.muli %add3A_36, %mul3A_44 : i32
      %add3A_46 = arith.addi %mul3A_2, %mul3A_45 : i32
      %dma_wait3A_47 = tpu.memref_slice %arg2[%add3A_46] : memref<67108864xf32, #tpu.memory_space<hbm>> -> memref<16384xf32, #tpu.memory_space<hbm>>
      %dma_wait3A_48 = tpu.memref_slice %arg2[%add3A_46] : memref<67108864xf32, #tpu.memory_space<hbm>> -> memref<16384xf32, #tpu.memory_space<hbm>>
      tpu.wait_dma2 semaphore(%arg10 : memref<!tpu.dma_semaphore, #tpu.memory_space<semaphore_mem>>) src(%dma_wait3A_48 : memref<16384xf32, #tpu.memory_space<hbm>>) dst(%arg6 : memref<16384xf32, #tpu.memory_space<vmem>>)
      %add3A_49 = arith.constant 2 : i32
      %add3A_50 = arith.addi %add3A_23, %add3A_49 : i32
      %add3A_51 = arith.constant 2 : i32
      %add3A_52 = arith.addi %add3A_50, %add3A_51 : i32
      %lt3A_53 = arith.constant 128 : i32
      %lt3A_54 = arith.cmpi slt, %add3A_52, %lt3A_53 : i32
      %convert_element_type3A_55 = arith.extui %lt3A_54 : i1 to i32
      %cond3A_56 = arith.constant 0 : i32
      %cond3A_57 = arith.cmpi ne, %convert_element_type3A_55, %cond3A_56 : i32
      scf.if %cond3A_57 {
        %add3A_77 = arith.constant 2 : i32
        %add3A_78 = arith.addi %add3A_50, %add3A_77 : i32
        %mul3A_79 = arith.constant 16384 : i32
        %mul3A_80 = arith.muli %add3A_78, %mul3A_79 : i32
        %add3A_81 = arith.addi %mul3A_2, %mul3A_80 : i32
        %dma_start3A_82 = tpu.memref_slice %arg2[%add3A_81] : memref<67108864xf32, #tpu.memory_space<hbm>> -> memref<16384xf32, #tpu.memory_space<hbm>>
        %dma_start3A_83 = tpu.memref_slice %arg2[%add3A_81] : memref<67108864xf32, #tpu.memory_space<hbm>> -> memref<16384xf32, #tpu.memory_space<hbm>>
        tpu.enqueue_dma source(%dma_start3A_83 : memref<16384xf32, #tpu.memory_space<hbm>>) target(%arg5 : memref<16384xf32, #tpu.memory_space<vmem>>) target_semaphore(%arg9 : memref<!tpu.dma_semaphore, #tpu.memory_space<semaphore_mem>>)
      } else {
      }
      %mul3A_58 = arith.constant 16384 : i32
      %mul3A_59 = arith.muli %add3A_50, %mul3A_58 : i32
      %add3A_60 = arith.addi %mul3A_2, %mul3A_59 : i32
      %dma_wait3A_61 = tpu.memref_slice %arg2[%add3A_60] : memref<67108864xf32, #tpu.memory_space<hbm>> -> memref<16384xf32, #tpu.memory_space<hbm>>
      %dma_wait3A_62 = tpu.memref_slice %arg2[%add3A_60] : memref<67108864xf32, #tpu.memory_space<hbm>> -> memref<16384xf32, #tpu.memory_space<hbm>>
      tpu.wait_dma2 semaphore(%arg11 : memref<!tpu.dma_semaphore, #tpu.memory_space<semaphore_mem>>) src(%dma_wait3A_62 : memref<16384xf32, #tpu.memory_space<hbm>>) dst(%arg7 : memref<16384xf32, #tpu.memory_space<vmem>>)
      %add3A_63 = arith.constant 3 : i32
      %add3A_64 = arith.addi %add3A_23, %add3A_63 : i32
      %add3A_65 = arith.constant 2 : i32
      %add3A_66 = arith.addi %add3A_64, %add3A_65 : i32
      %lt3A_67 = arith.constant 128 : i32
      %lt3A_68 = arith.cmpi slt, %add3A_66, %lt3A_67 : i32
      %convert_element_type3A_69 = arith.extui %lt3A_68 : i1 to i32
      %cond3A_70 = arith.constant 0 : i32
      %cond3A_71 = arith.cmpi ne, %convert_element_type3A_69, %cond3A_70 : i32
      scf.if %cond3A_71 {
        %add3A_77 = arith.constant 2 : i32
        %add3A_78 = arith.addi %add3A_64, %add3A_77 : i32
        %mul3A_79 = arith.constant 16384 : i32
        %mul3A_80 = arith.muli %add3A_78, %mul3A_79 : i32
        %add3A_81 = arith.addi %mul3A_2, %mul3A_80 : i32
        %dma_start3A_82 = tpu.memref_slice %arg2[%add3A_81] : memref<67108864xf32, #tpu.memory_space<hbm>> -> memref<16384xf32, #tpu.memory_space<hbm>>
        %dma_start3A_83 = tpu.memref_slice %arg2[%add3A_81] : memref<67108864xf32, #tpu.memory_space<hbm>> -> memref<16384xf32, #tpu.memory_space<hbm>>
        tpu.enqueue_dma source(%dma_start3A_83 : memref<16384xf32, #tpu.memory_space<hbm>>) target(%arg6 : memref<16384xf32, #tpu.memory_space<vmem>>) target_semaphore(%arg10 : memref<!tpu.dma_semaphore, #tpu.memory_space<semaphore_mem>>)
      } else {
      }
      %mul3A_72 = arith.constant 16384 : i32
      %mul3A_73 = arith.muli %add3A_64, %mul3A_72 : i32
      %add3A_74 = arith.addi %mul3A_2, %mul3A_73 : i32
      %dma_wait3A_75 = tpu.memref_slice %arg2[%add3A_74] : memref<67108864xf32, #tpu.memory_space<hbm>> -> memref<16384xf32, #tpu.memory_space<hbm>>
      %dma_wait3A_76 = tpu.memref_slice %arg2[%add3A_74] : memref<67108864xf32, #tpu.memory_space<hbm>> -> memref<16384xf32, #tpu.memory_space<hbm>>
      tpu.wait_dma2 semaphore(%arg12 : memref<!tpu.dma_semaphore, #tpu.memory_space<semaphore_mem>>) src(%dma_wait3A_76 : memref<16384xf32, #tpu.memory_space<hbm>>) dst(%arg8 : memref<16384xf32, #tpu.memory_space<vmem>>)
    }
    %scan3A_13 = arith.constant 32 : i32
    %mul3A_14 = arith.constant 16384 : i32
    %mul3A_15 = arith.muli %add3A, %mul3A_14 : i32
    %dma_start3A_16 = tpu.memref_slice %arg4[%mul3A_15] : memref<524288xf32, #tpu.memory_space<hbm>> -> memref<16384xf32, #tpu.memory_space<hbm>>
    %dma_start3A_17 = tpu.memref_slice %arg4[%mul3A_15] : memref<524288xf32, #tpu.memory_space<hbm>> -> memref<16384xf32, #tpu.memory_space<hbm>>
    tpu.enqueue_dma source(%arg5 : memref<16384xf32, #tpu.memory_space<vmem>>) target(%dma_start3A_17 : memref<16384xf32, #tpu.memory_space<hbm>>) target_semaphore(%arg13 : memref<!tpu.dma_semaphore, #tpu.memory_space<semaphore_mem>>)
    %dma_wait3A = tpu.memref_slice %arg4[%mul3A_15] : memref<524288xf32, #tpu.memory_space<hbm>> -> memref<16384xf32, #tpu.memory_space<hbm>>
    %dma_wait3A_18 = tpu.memref_slice %arg4[%mul3A_15] : memref<524288xf32, #tpu.memory_space<hbm>> -> memref<16384xf32, #tpu.memory_space<hbm>>
    tpu.wait_dma2 semaphore(%arg13 : memref<!tpu.dma_semaphore, #tpu.memory_space<semaphore_mem>>) src(%arg5 : memref<16384xf32, #tpu.memory_space<vmem>>) dst(%dma_wait3A_18 : memref<16384xf32, #tpu.memory_space<hbm>>)
    return
  }
}

</mosaic_0001>

<sc_bundles>
// kernel: kernel.3.cloned.1.call-start
scs
__scs_entry_jumppad:
0x0: {  	(pc) =	sbr.rel $0x88, $3  }
0x1: {  	(tag) =	ssettag $0x0;
	lr =	simm.s32 $0x1  }
0x2: {  	[smem:$0x3F9F] =	sst lr;
	_ =	strace $0xD0000000  }
0x3: {  	_ = 	snop  }
0x4: {  	_ = 	snop  }
0x5: {  	_ = 	snop  }
0x6: {  	_ = 	snop  }
0x7: {  	_ = 	snop  }
__scs_overlays_trampoline_lowered:
0x8: {  	[smem:$0x3FAE] =	sst s0  }
0x9: {  	[smem:$0x3FAF] =	sst s1  }
0xa: {  	[smem:$0x3FB0] =	sst s2  }
0xb: {  	[smem:$0x3FB1] =	sst s3  }
0xc: {  	[smem:$0x3FB2] =	sst s4  }
0xd: {  	[smem:$0x3FB3] =	sst s5  }
0xe: {  	[smem:$0x3FB4] =	sst s6  }
0xf: {  	[smem:$0x3FB5] =	sst s7  }
0x10: {  	[smem:$0x3FB6] =	sst s8  }
0x11: {  	[smem:$0x3FB7] =	sst s9;
	s0 =	simm.s32 @!p0 $0x0  }
0x12: {  	s1 =	sld [smem:$0x3F9D];
	s0 =	simm.s32 @p0 $0x1  }
0x13: {  	[smem:$0x3FB8] =	sst s0;
	s0 =	simm.s32 @!p1 $0x0  }
0x14: {  	s2 =	sld [smem:$0x3F9C];
	s0 =	simm.s32 @p1 $0x1  }
0x15: {  	[smem:$0x3FB9] =	sst s0;
	s0 =	simm.s32 @!p2 $0x0  }
0x16: {  	s3 =	sld [smem:$0x3FDB];
	s0 =	simm.s32 @p2 $0x1  }
0x17: {  	s4 =	simm.s32 $0x1BF5;
	[smem:$0x3FBB] =	sst s0  }
0x18: {  	s0 =	sld [smem:$0x3F9E];
	_ =	swait.ge [sflag:s4], $0x0  }
0x19: {  	s7 =	sld [smem:$0x3F9F]  }
0x1a: {  	s8 =	sadd.s32 $0xFFFFE003, lr  }
0x1b: {  	s9 =	sadd.s32 $0xFFFFFEF7, lr;
	s5 =	simm.s32 $0xFFFFFFFF;
	p2 =	slt.u32 s8, $0xFFFFF086  }
0x1c: {  	p1 =	slt.u32 s9, $0xF7A;
	s5 =	simm.s32 @!p2 $0x0  }
0x1d: {  	s5 =	simm.s32 @p1 $0x1;
	p0 =	seq.s32 s7, s2  }
0x1e: {  	s7 =	smul.u32 @!p0 $0xF7A, s2;
	p2 =	seq.s32 @!p0 s5, $0x0  }
0x1f: {  	s9 =	smul.u32 $0xF7A, s1;
	s8 =	simm.s32 @!p0 $0x1BF5;
	p2 =	por !p2, p0  }
0x20: {  	[sflag:s8] =	ssyncset.s32 @!p0 $0xFFFFF086;
	s6 =	sadd.s32 @!p0 s3, s7;
	s7 =	simm.s32 @!p0 $0x108  }
0x21: {  	s3 =	sadd.s32 s3, s9;
	s6 =	sadd.s32 @!p0 $0x88, s6;
	s7 =	simm.s32 @p2 $0x1082  }
0x22: {  	[simem:s7], [sflag:s8] =	dma.local @!p0 [hbm:s6], $0xF7A  }
0x23: {  	s9 =	sor.u32 $0xD0000000, s2;
	s6 =	simm.s32 $0x108;
	_ =	swait.ge @!p0 [sflag:s8], $0x0  }
0x24: {  	s3 =	sadd.s32 $0x88, s3;
	s6 =	simm.s32 @!p1 $0x1082;
	[sflag:s4] =	ssyncset.s32 $0xFFFFF086  }
0x25: {  	[simem:s6], [sflag:s4] =	dma.local [hbm:s3], $0xF7A  }
0x26: {  	[smem:$0x3F9F] =	sst s1;
	(tag) =	ssettag s2;
	_ =	strace s9  }
0x27: {  	s1 =	sld [smem:$0x3FAF]  }
0x28: {  	s2 =	sld [smem:$0x3FB0]  }
0x29: {  	s4 =	sld [smem:$0x3FB2]  }
0x2a: {  	p0 =	seq.s32 s5, $0x0;
	s5 =	sld [smem:$0x3FB3]  }
0x2b: {  	s6 =	sld [smem:$0x3FB4]  }
0x2c: {  	s7 =	sld [smem:$0x3FB5]  }
0x2d: {  	s3 =	simm.s32 $0x108;
	s8 =	sld [smem:$0x3FB6]  }
0x2e: {  	s3 =	simm.s32 @!p0 $0x1082;
	s9 =	sld [smem:$0x3FB7]  }
0x2f: {  	lr =	sadd.s32 s0, s3;
	s0 =	sld [smem:$0x3FAE]  }
0x30: {  	s3 =	sld [smem:$0x3FB1]  }
0x31: {  	[smem:$0x3FBA] =	sst s10  }
0x32: {  	s10 =	sld [smem:$0x3FB8];
	_ =	sdelay $0x3  }
0x33: {  	p0 =	seq.s32 s10, $0x1;
	s10 =	sld [smem:$0x3FBA];
	_ =	sdelay $0x3  }
0x34: {  	[smem:$0x3FBA] =	sst s10  }
0x35: {  	s10 =	sld [smem:$0x3FB9];
	_ =	sdelay $0x3  }
0x36: {  	p1 =	seq.s32 s10, $0x1;
	s10 =	sld [smem:$0x3FBA];
	_ =	sdelay $0x3  }
0x37: {  	[smem:$0x3FBA] =	sst s10  }
0x38: {  	s10 =	sld [smem:$0x3FBB]  }
0x39: {  	_ = 	snop;
	(pc) =	sbr.ind lr, $3  }
0x3a: {  	_ = 	snop  }
0x3b: {  	_ = 	snop  }
0x3c: {  	p2 =	seq.s32 s10, $0x1;
	s10 =	sld [smem:$0x3FBA]  }
0x3d: {  	_ =	shalt  }
0x3e: {  	_ =	shalt  }
0x3f: {  	_ =	shalt  }
0x40: {  	_ =	shalt  }
0x41: {  	_ =	shalt  }
0x42: {  	_ =	shalt  }
0x43: {  	_ =	shalt  }
0x44: {  	_ =	shalt  }
0x45: {  	_ =	shalt  }
0x46: {  	_ =	shalt  }
0x47: {  	_ =	shalt  }
0x48: {  	_ =	shalt  }
0x49: {  	_ =	shalt  }
0x4a: {  	_ =	shalt  }
0x4b: {  	_ =	shalt  }
0x4c: {  	_ =	shalt  }
0x4d: {  	_ =	shalt  }
0x4e: {  	_ =	shalt  }
0x4f: {  	_ =	shalt  }
0x50: {  	_ =	shalt  }
0x51: {  	_ =	shalt  }
0x52: {  	_ =	shalt  }
0x53: {  	_ =	shalt  }
0x54: {  	_ =	shalt  }
0x55: {  	_ =	shalt  }
0x56: {  	_ =	shalt  }
0x57: {  	_ =	shalt  }
0x58: {  	_ =	shalt  }
0x59: {  	_ =	shalt  }
0x5a: {  	_ =	shalt  }
0x5b: {  	_ =	shalt  }
0x5c: {  	_ =	shalt  }
0x5d: {  	_ =	shalt  }
0x5e: {  	_ =	shalt  }
0x5f: {  	_ =	shalt  }
0x60: {  	_ =	shalt  }
0x61: {  	_ =	shalt  }
0x62: {  	_ =	shalt  }
0x63: {  	_ =	shalt  }
0x64: {  	_ =	shalt  }
0x65: {  	_ =	shalt  }
0x66: {  	_ =	shalt  }
0x67: {  	_ =	shalt  }
0x68: {  	_ =	shalt  }
0x69: {  	_ =	shalt  }
0x6a: {  	_ =	shalt  }
0x6b: {  	_ =	shalt  }
0x6c: {  	_ =	shalt  }
0x6d: {  	_ =	shalt  }
0x6e: {  	_ =	shalt  }
0x6f: {  	_ =	shalt  }
0x70: {  	_ =	shalt  }
0x71: {  	_ =	shalt  }
0x72: {  	_ =	shalt  }
0x73: {  	_ =	shalt  }
0x74: {  	_ =	shalt  }
0x75: {  	_ =	shalt  }
0x76: {  	_ =	shalt  }
0x77: {  	_ =	shalt  }
0x78: {  	_ =	shalt  }
0x79: {  	_ =	shalt  }
0x7a: {  	_ =	shalt  }
0x7b: {  	_ =	shalt  }
0x7c: {  	_ =	shalt  }
0x7d: {  	_ =	shalt  }
0x7e: {  	_ =	shalt  }
0x7f: {  	_ =	shalt  }
0x80: {  	_ =	shalt  }
0x81: {  	_ =	shalt  }
0x82: {  	_ =	shalt  }
0x83: {  	_ =	shalt  }
0x84: {  	_ =	shalt  }
0x85: {  	_ =	shalt  }
0x86: {  	_ =	shalt  }
0x87: {  	_ =	shalt  }
.Lfunc_end0:
.L_simem_size_0:
called_computation_lowered:
.L_overlay_start_0:
0x88: {  	s2 =	sld [smem:$0x3FD9]  }
0x89: {  	s3 =	sld [smem:$0x3FFE];
	_ =	sdelay $0x1  }
0x8a: {  	s1 =	srdreg.scid  }
0x8b: {  	s0 =	sand.u32 $0x1, s1  }
0x8c: {  	s18 =	sshll.u32 s0, $0xA;
	s2 =	sadd.s32 s3, s2  }
0x8d: {  	s2 =	sadd.s32 s2, s18  }
0x8e: {  	[smem:$0x3FC6] =	sst s2  }
0x8f: {  	_ = 	snop  }
0x90: {  	s2 =	sld [smem:$0x3FC9]  }
0x91: {  	s19 =	sld [smem:$0x3FD0];
	(tm) =	ssettm $0x1  }
0x92: {  	s4 =	sld [smem:$0x3FFB];
	_ =	sdelay $0x3  }
0x93: {  	_ =	strace s4  }
0x94: {  	s4 =	sld [smem:$0x3FFC];
	_ =	sdelay $0x3  }
0x95: {  	_ =	strace s4  }
0x96: {  	s4 =	sld [smem:$0x3FFD];
	_ =	sdelay $0x3  }
0x97: {  	_ =	strace s4  }
0x98: {  	_ =	strace $0x8FFFFFFF  }
0x99: {  	s20 =	sld [smem:$0x3FDB];
	_ =	sdelay $0x1  }
0x9a: {  	s5 =	simm.s32 $_scs_section_size  }
0x9b: {  	s6 =	simm.s32 $_size__tile_overlayer_lowered;
	s7 =	simm.s32 $_tile_overlayer_lowered  }
0x9c: {  	s23 =	simm.s32 $0x1BFF;
	s22 =	sshll.u32 s7, $0x1;
	s4 =	sadd.s32 s5, s20  }
0x9d: {  	s8 =	simm.s32 $0x0;
	s21 =	sshll.u32 s6, $0x1;
	s6 =	sadd.s32 s22, s4  }
0x9e: {  	[timem:s8], [sflag:s23] =	dma.local [hbm:s6], s21  }
0x9f: {  	_ =	swait.ge [sflag:s23], s21  }
0xa0: {  	s5 =	ssub.s32 $0x0, s21;
	[sflag:s23] =	ssyncset.done $0x0  }
0xa1: {  	[sflag:s23] =	ssyncadd.s32 s5;
	_ =	sdelay $0x1  }
0xa2: {  	s24 =	simm.s32 $0x1B8B  }
0xa3: {  	_ =	swait.ge [sflag:s24], $0x1  }
0xa4: {  	[sflag:s24] =	ssyncset.done $0x0  }
0xa5: {  	s25 =	simm.s32 $0x1B8E;
	[sflag:s24] =	ssyncadd.s32 $0xFFFFFFFF  }
0xa6: {  	s26 =	simm.s32 $execute0_lowered;
	[smem:$0x3FD2] =	sst s25  }
0xa7: {  	s5 =	sshll.u32 s26, $0x1;
	_ =	strace $0x80000046;
	[dreg:$0x1] =	wrdreg $0xFFFFFFFF  }
0xa8: {  	s28 =	simm.s32 $_size_execute0_lowered;
	s4 =	sadd.s32 s4, s5;
	[dreg:$0x0] =	wrdreg $0x0  }
0xa9: {  	s5 =	sshll.u32 s28, $0x1;
	[dreg:$0x2] =	wrdreg s4  }
0xaa: {  	[dreg:$0x3] =	wrdreg s5  }
0xab: {  	[dreg:$0x4] =	wrdreg $0xC0  }
0xac: {  	_ =	task [dreg:s8], $0x5FFFF  }
0xad: {  	[dreg:$0x1] =	wrdreg $0xFFFFFFFF  }
0xae: {  	[dreg:$0x0] =	wrdreg $0x60  }
0xaf: {  	[dreg:$0x2] =	wrdreg s2  }
0xb0: {  	[dreg:$0x3] =	wrdreg s19  }
0xb1: {  	[dreg:$0x4] =	wrdreg $0x9  }
0xb2: {  	_ =	task.clear_ibuf [dreg:s8], $0x5FFFF;
	_ =	strace $0x90000046  }
0xb3: {  	s29 =	simm.s32 $0x9;
	_ =	strace $0x80000048  }
0xb4: {  	_ =	swait.ge [sflag:s29], $0x1  }
0xb5: {  	[sflag:s29] =	ssyncadd.s32 $0xFFFFFFFF  }
0xb6: {  	_ =	strace $0x90000048  }
0xb7: {  	_ =	sfence  }
0xb8: {  	s30 =	sld [smem:$0x0];
	_ =	sdelay $0x2  }
0xb9: {  	s31 =	sshll.u32 s1, $0xD;
	s1 =	sshrl.u32 s1, $0x2  }
0xba: {  	s3 =	sand.u32 $0x4000, s31;
	s1 =	sadd.s32 s1, s30  }
0xbb: {  	s0 =	sor.u32 s3, s0;
	s1 =	sshll.u32 s1, $0x11  }
0xbc: {  	s0 =	sor.u32 s1, s0  }
0xbd: {  	s0 =	sadd.s32 $0x8F2B, s0  }
0xbe: {  	[sflag:s0] =	ssyncadd.remote.s32 $0x1  }
0xbf: {  	_ =	sfence.sel $0xFFFF  }
0xc0: {  	[dreg:$0x0] =	wrdreg $0xFFFFFFFF;
	(pc) =	sbr.abs _section_cstart, $3  }
0xc1: {  	[dreg:$0x1] =	wrdreg $0xFFFFFFFF  }
0xc2: {  	_ =	task.clear_ibuf [dreg:s8], $0x2FFFF;
	_ =	strace $0x9FFFFFFF  }
0xc3: {  	(tm) =	ssettm $0x7FFFFFFF  }
tec
execute0_lowered:
.L_overlay_start_1:
0x0: {  	(tag) =	ssettag $0x1  }
0x1: {  	s11 =	rddreg [dreg:$0x0]  }
0x2: {  	s1 =	srdreg.scid;
	s0 =	stileid.u32  }
0x3: {  	s5 =	rddreg [dreg:$0x1];
	s2 =	simm.s32 $0x0;
	s13 =	simm.s32 $0x8000  }
0x4: {  	s14 =	simm.s32 $0x1;
	s15 =	simm.s32 $0xC000;
	s16 =	simm.s32 $0x2  }
0x5: {  	s17 =	simm.s32 $0x3;
	s18 =	simm.s32 $0x4;
	s19 =	simm.s32 $0x5  }
0x6: {  	s20 =	simm.s32 $0x0;
	s6 =	sand.u32 $0x1, s1;
	s1 =	rddreg [dreg:$0x2]  }
0x7: {  	s3 =	sshll.u32 s0, $0x1;
	[smem:$0x7FF] =	sst s2;
	s9 =	sshll.u32 s0, $0x16  }
0x8: {  	s7 =	sor.u32 s6, s3;
	s4 =	ssub.s32 $0x2, s6;
	_ =	strace $0x80000047  }
0x9: {  	s10 =	sshll.u32 s6, $0x15;
	s3 =	sshll.u32 s7, $0x12;
	s8 =	sshrl.u32 s4, $0x1  }
0xa: {  	s7 =	sshll.u32 s7, $0xB;
	s9 =	sor.u32 s10, s9;
	s3 =	sadd.s32 s11, s3  }
0xb: {  	s8 =	ssub.s32 s4, s8;
	s5 =	sadd.s32 s5, s7;
	s10 =	sor.u32 $0x14000, s9  }
0xc: {  	s12 =	sor.u32 $0x10000, s9;
	s9 =	sshrl.u32 s9, $0x3;
	s4 =	sadd.s32 $0x800, s3  }
0xd: {  	s6 =	smax.u32 s8, $0x1;
	s7 =	sadd.s32 $0x3F000, s3;
	s8 =	sadd.s32 $0x3F800, s3  }
0xe: {  	s10 =	sshrl.u32 s10, $0x3;
	s12 =	sshrl.u32 s12, $0x3;
	s9 =	sadd.s32 s9, s11  }
0xf: {  	s10 =	sadd.s32 s10, s11;
	s11 =	sadd.s32 s12, s11;
	s12 =	simm.s32 $0x4000  }
.LBB2_1:
0x10: {  	[tilespmem:s2], [sflag:$0x1] =	stream.linear.gather [hbm4b:s3+s2], $0x4000, $0x38;
	[tilespmem:$0x10000] =	vst v63  }
0x11: {  	s21 =	sadd.s32 $0x0, s9  }
0x12: {  	[tilespmem:s12], [sflag:$0x2] =	stream.linear.gather [hbm4b:s4+s2], $0x4000, $0x38;
	[tilespmem:$0x10000] =	vst v63  }
0x13: {  	s22 =	sadd.s32 $0x1000, s21  }
0x14: {  	[tilespmem:s13], [sflag:$0x3] =	stream.linear.gather [hbm4b:s22+s2], $0x4000, $0x38;
	[tilespmem:$0x10000] =	vst v63  }
0x15: {  	_ =	swait.ge [sflag:s14], $0x4000  }
0x16: {  	[sflag:s14] =	ssyncset.done $0x0  }
0x17: {  	s21 =	sadd.s32 $0x1800, s21;
	[sflag:s14] =	ssyncadd.s32 $0xFFFFC000  }
0x18: {  	[tilespmem:s15], [sflag:$0x4] =	stream.linear.gather [hbm4b:s21+s2], $0x4000, $0x38;
	[tilespmem:$0x10000] =	vst v63  }
0x19: {  	_ =	swait.ge [sflag:s16], $0x4000  }
0x1a: {  	[sflag:s16] =	ssyncset.done $0x0  }
0x1b: {  	s30 =	sadd.s32 $0x0, s11;
	[sflag:s16] =	ssyncadd.s32 $0xFFFFC000  }
0x1c: {  	[tilespmem:s2], [sflag:$0x1] =	stream.linear.gather [hbm4b:s30+s2], $0x4000, $0x38;
	[tilespmem:$0x10000] =	vst v63  }
0x1d: {  	_ =	swait.ge [sflag:s17], $0x4000  }
0x1e: {  	[sflag:s17] =	ssyncset.done $0x0  }
0x1f: {  	s31 =	sadd.s32 $0x0, s10;
	[sflag:s17] =	ssyncadd.s32 $0xFFFFC000  }
0x20: {  	[tilespmem:s12], [sflag:$0x2] =	stream.linear.gather [hbm4b:s31+s2], $0x4000, $0x38;
	[tilespmem:$0x10000] =	vst v63  }
0x21: {  	s23 =	simm.s32 $0x4000;
	_ =	swait.ge [sflag:s18], $0x4000  }
0x22: {  	s22 =	sadd.s32 $0x2000, s9;
	s21 =	simm.s32 $0x2000;
	[sflag:s18] =	ssyncset.done $0x0  }
.LBB2_2:
0x23: {  	s24 =	sadd.s32 $0x1000, s22  }
0x24: {  	[sflag:s18] =	ssyncadd.s32 $0xFFFFC000;
	s25 =	smov.u32 s23;
	s26 =	sadd.s32 $0x2000, s23  }
0x25: {  	[tilespmem:s13], [sflag:$0x3] =	stream.linear.gather [hbm4b:s24+s2], $0x4000, $0x38;
	[tilespmem:$0x10000] =	vst v63  }
0x26: {  	p0 =	sne.s32 s23, $0x3C000;
	_ =	swait.ge [sflag:s14], $0x4000  }
0x27: {  	[sflag:s14] =	ssyncset.done $0x0  }
0x28: {  	s22 =	sadd.s32 $0x1800, s22;
	[sflag:s14] =	ssyncadd.s32 $0xFFFFC000  }
0x29: {  	[tilespmem:s15], [sflag:$0x4] =	stream.linear.gather [hbm4b:s22+s2], $0x4000, $0x38;
	[tilespmem:$0x10000] =	vst v63  }
0x2a: {  	_ =	swait.ge [sflag:s16], $0x4000  }
0x2b: {  	[sflag:s16] =	ssyncset.done $0x0  }
0x2c: {  	s22 =	sadd.s32 s21, s11;
	[sflag:s16] =	ssyncadd.s32 $0xFFFFC000  }
0x2d: {  	[tilespmem:s2], [sflag:$0x1] =	stream.linear.gather [hbm4b:s22+s2], $0x4000, $0x38;
	[tilespmem:$0x10000] =	vst v63  }
0x2e: {  	_ =	swait.ge [sflag:s17], $0x4000  }
.Ltmp0:
0x2f: {  	[sflag:s17] =	ssyncset.done $0x0;
	(pc) =	sbr.rel @p0 .LBB2_2-.Ltmp0, $4  }
0x30: {  	s22 =	sadd.s32 s21, s10;
	s21 =	smov.u32 s25;
	[sflag:s17] =	ssyncadd.s32 $0xFFFFC000  }
0x31: {  	[tilespmem:s12], [sflag:$0x2] =	stream.linear.gather [hbm4b:s22+s2], $0x4000, $0x38;
	[tilespmem:$0x10000] =	vst v63  }
0x32: {  	_ =	swait.ge [sflag:s18], $0x4000  }
0x33: {  	s23 =	smov.u32 s26;
	s22 =	sadd.s32 s21, s9;
	[sflag:s18] =	ssyncset.done $0x0  }
0x34: {  	s23 =	sadd.s32 $0x1000, s22;
	[sflag:s18] =	ssyncadd.s32 $0xFFFFC000  }
0x35: {  	[tilespmem:s13], [sflag:$0x3] =	stream.linear.gather [hbm4b:s23+s2], $0x4000, $0x38;
	[tilespmem:$0x10000] =	vst v63  }
0x36: {  	_ =	swait.ge [sflag:s14], $0x4000  }
0x37: {  	[sflag:s14] =	ssyncset.done $0x0  }
0x38: {  	s29 =	sadd.s32 $0x1800, s22;
	[sflag:s14] =	ssyncadd.s32 $0xFFFFC000  }
0x39: {  	[tilespmem:s15], [sflag:$0x4] =	stream.linear.gather [hbm4b:s29+s2], $0x4000, $0x38;
	[tilespmem:$0x10000] =	vst v63  }
0x3a: {  	_ =	swait.ge [sflag:s16], $0x4000  }
0x3b: {  	[sflag:s16] =	ssyncset.done $0x0  }
0x3c: {  	s30 =	sadd.s32 s21, s11;
	[sflag:s16] =	ssyncadd.s32 $0xFFFFC000  }
0x3d: {  	[tilespmem:s2], [sflag:$0x1] =	stream.linear.gather [hbm4b:s30+s2], $0x4000, $0x38;
	[tilespmem:$0x10000] =	vst v63  }
0x3e: {  	_ =	swait.ge [sflag:s17], $0x4000  }
0x3f: {  	[sflag:s17] =	ssyncset.done $0x0  }
0x40: {  	s31 =	sadd.s32 s21, s10;
	[sflag:s17] =	ssyncadd.s32 $0xFFFFC000  }
0x41: {  	[tilespmem:s12], [sflag:$0x2] =	stream.linear.gather [hbm4b:s31+s2], $0x4000, $0x38;
	[tilespmem:$0x10000] =	vst v63  }
0x42: {  	_ =	swait.ge [sflag:s18], $0x4000  }
0x43: {  	[sflag:s18] =	ssyncset.done $0x0  }
0x44: {  	[sflag:s18] =	ssyncadd.s32 $0xFFFFC000  }
0x45: {  	[tilespmem:s13], [sflag:$0x3] =	stream.linear.gather [hbm4b:s7+s2], $0x4000, $0x38;
	[tilespmem:$0x10000] =	vst v63  }
0x46: {  	_ =	swait.ge [sflag:s14], $0x4000  }
0x47: {  	[sflag:s14] =	ssyncset.done $0x0  }
0x48: {  	[sflag:s14] =	ssyncadd.s32 $0xFFFFC000  }
0x49: {  	[tilespmem:s15], [sflag:$0x4] =	stream.linear.gather [hbm4b:s8+s2], $0x4000, $0x38;
	[tilespmem:$0x10000] =	vst v63  }
0x4a: {  	_ =	swait.ge [sflag:s16], $0x4000  }
0x4b: {  	[sflag:s16] =	ssyncset.done $0x0  }
0x4c: {  	[sflag:s16] =	ssyncadd.s32 $0xFFFFC000  }
0x4d: {  	_ =	swait.ge [sflag:s17], $0x4000  }
0x4e: {  	[sflag:s17] =	ssyncset.done $0x0  }
0x4f: {  	[sflag:s17] =	ssyncadd.s32 $0xFFFFC000  }
0x50: {  	s20 =	sadd.s32 $0x1, s20;
	_ =	swait.ge [sflag:s18], $0x4000  }
0x51: {  	p0 =	sne.s32 s20, s6;
	[sflag:s18] =	ssyncset.done $0x0  }
.Ltmp1:
0x52: {  	[sflag:s18] =	ssyncadd.s32 $0xFFFFC000;
	(pc) =	sbr.rel @p0 .LBB2_1-.Ltmp1, $4  }
0x53: {  	[hbm4b:s5+s2] =	stream.linear.scatter [tilespmem:s2], [sflag:$0x5], $0x4000, $0x38;
	[tilespmem:$0x10000] =	vst v63  }
0x54: {  	_ =	swait.ge [sflag:s19], $0x4000  }
0x55: {  	[sflag:s19] =	ssyncset.done $0x0  }
0x56: {  	[sflag:s19] =	ssyncadd.s32 $0xFFFFC000  }
0x57: {  	_ =	sfence.sel $0x180000  }
0x58: {  	[bflag:$0x0] =	sbarrier.arrive $0xFFFF  }
0x59: {  	p0 =	sne.s32 s0, $0x0;
	_ =	strace $0x90000047  }
0x5a: {  	s0 =	sadd.s32 @!p0 $0x100000, s1;
	[bflag:$0x2] =	sbarrier.arrive $0xFFFF  }
0x5b: {  	[sflag:s0] =	ssyncadd.tile.s32 @!p0 $0x1;
	_ =	shalt  }
.Lfunc_end2:
_tile_overlayer_lowered:
.L_overlay_start_2:
0x5c: {  	(tag) =	ssettag $0x2  }
0x5d: {  	s0 =	rddreg [dreg:$0x0];
	s2 =	stileid.u32  }
0x5e: {  	s1 =	rddreg [dreg:$0x1];
	p0 =	sne.s32 s2, $0x0  }
0x5f: {  	s3 =	rddreg [dreg:$0x2];
	[bflag:$0x3] =	sbarrier.arrive $0xFFFF;
	s2 =	simm.s32 @!p0 $0x1C06  }
0x60: {  	[timem:s3], [sflag:s2] =	dma.local @!p0 [hbm:s0], s1  }
0x61: {  	s0 =	simm.s32 @!p0 $0x6  }
0x62: {  	_ =	swait.ge @!p0 [sflag:s0], s1  }
0x63: {  	s1 =	ssub.s32 @!p0 $0x0, s1;
	[sflag:s0] =	ssyncset.done @!p0 $0x0  }
0x64: {  	[sflag:s0] =	ssyncadd.s32 @!p0 s1  }
0x65: {  	[bflag:$0x3] =	sbarrier.arrive $0xFFFF  }
0x66: {  	_ =	shalt  }

</sc_bundles>
